<compile_context>
chip_gen: v7x
topology: tpu7x:2x2x1
jax: 0.10.2.dev20260603
libtpu: 0.0.44.dev20260713+nightly
codegen_flags: <defaults>
</compile_context>

<pallas_src>
import jax
import jax.numpy as jnp
from jax import lax
from jax.experimental import pallas as pl
from jax.experimental.pallas import tpu as pltpu
from jax.experimental.pallas import tpu_sc as plsc

_B = 64
_N = 100
_D = 256
_NC = 2
_NS = 16
_RPW = 256
_NW_USED = (_N * _B) // _RPW


def _sc_pe_body(emb_hbm, pe_hbm, idx_a, idx_b, rows_a, rows_b, sem_a, sem_b, sem_o):
    wid = lax.axis_index("s") * _NC + lax.axis_index("c")

    @pl.when(wid < _NW_USED)
    def _():
        base = wid * _RPW
        n0 = wid * (_RPW // _B)

        for c in range(8):
            idx_a[pl.ds(c * 16, 16)] = jnp.full((16,), n0 + c // 4, jnp.int32)
        for c in range(8, 16):
            idx_b[pl.ds((c - 8) * 16, 16)] = jnp.full((16,), n0 + c // 4, jnp.int32)
        ga = pltpu.async_copy(emb_hbm.at[idx_a], rows_a, sem_a)
        gb = pltpu.async_copy(emb_hbm.at[idx_b], rows_b, sem_b)
        ga.wait()
        oa = pltpu.async_copy(rows_a, pe_hbm.at[pl.ds(base, 128)], sem_o)
        gb.wait()
        ob = pltpu.async_copy(rows_b, pe_hbm.at[pl.ds(base + 128, 128)], sem_o)
        oa.wait()
        ob.wait()


def _tc_zeros_body(zt_ref):
    zt_ref[...] = jnp.zeros(zt_ref.shape, zt_ref.dtype)


def kernel(x, emb_table):
    mesh = plsc.VectorSubcoreMesh(core_axis_name="c", subcore_axis_name="s")
    sc_call = pl.kernel(
        _sc_pe_body,
        mesh=mesh,
        out_type=jax.ShapeDtypeStruct((_N * _B, _D), jnp.float32),
        scratch_types=[
            pltpu.VMEM((128,), jnp.int32),
            pltpu.VMEM((128,), jnp.int32),
            pltpu.VMEM((128, _D), jnp.float32),
            pltpu.VMEM((128, _D), jnp.float32),
            pltpu.SemaphoreType.DMA,
            pltpu.SemaphoreType.DMA,
            pltpu.SemaphoreType.DMA,
        ],
    )
    pet = sc_call(emb_table)

    nb = 20
    zt = pl.pallas_call(
        _tc_zeros_body,
        grid=(_N // nb,),
        out_specs=pl.BlockSpec((nb, _B, _D), lambda i: (i, 0, 0)),
        out_shape=jax.ShapeDtypeStruct((_N, _B, _D), jnp.float32),
    )()

    target = jnp.transpose(zt, (1, 0, 2))
    target_pe = jnp.transpose(pet.reshape(_N, _B, _D), (1, 0, 2))
    return (target, target_pe)

# --- scband reference (transcript-rebuilt; emitter-appended) ---
"""Pipeline reference for scband-prepare-decoder-input-5720896438839 (READ-ONLY COPY).

The authoritative reference and input builder live on the scoring server;
editing this copy changes nothing except your own understanding.
"""

import jax, jax.numpy as jnp
import numpy as np

MAX_BOXES = 100
EMB_DIM = 256


def setup_inputs(seed: int = 0) -> dict:
    key = jax.random.key(seed)
    k1, k2 = jax.random.split(key)
    x = jax.random.normal(k1, (64, 1024, 256), dtype=jnp.float32)
    emb_table = jax.random.normal(k2, (MAX_BOXES, EMB_DIM), dtype=jnp.float32) * 0.02
    return {"x": x, "emb_table": emb_table}


def reference(x, emb_table):
    b = x.shape[0]
    # target_indices = tile(range(max_boxes)[None, :], [b, 1])
    target_indices = jnp.tile(jnp.arange(MAX_BOXES)[None, :], (b, 1))
    # embedding lookup: gather rows of the table
    target_pe = jnp.take(emb_table, target_indices, axis=0)  # [b, max_boxes, emb_dim]
    # target = tile(zeros((1, max_boxes, emb_dim)), [b, 1, 1])
    target = jnp.tile(jnp.zeros((1, MAX_BOXES, EMB_DIM), dtype=jnp.float32), (b, 1, 1))
    return (target, target_pe)

if __name__ == "__main__":
    import jax
    _d = setup_inputs()
    print(jax.jit(kernel)(*tuple(_d.values())))

</pallas_src>

<mosaic_0001>
#map = affine_map<(d0, d1) -> (0, 0)>
module attributes {stable_mosaic.version = 14 : i64} {
  func.func @_sc_pe_body(%arg0: i32, %arg1: i32, %arg2: memref<100x256xf32, #tpu.memory_space<hbm>>, %arg3: memref<6400x256xf32, #tpu.memory_space<hbm>>, %arg4: memref<128xi32, #tpu.memory_space<vmem>>, %arg5: memref<128xi32, #tpu.memory_space<vmem>>, %arg6: memref<128x256xf32, #tpu.memory_space<vmem>>, %arg7: memref<128x256xf32, #tpu.memory_space<vmem>>, %arg8: memref<!tpu.dma_semaphore, #tpu.memory_space<semaphore_mem>>, %arg9: memref<!tpu.dma_semaphore, #tpu.memory_space<semaphore_mem>>, %arg10: memref<!tpu.dma_semaphore, #tpu.memory_space<semaphore_mem>>) attributes {dimension_semantics = [#tpu.dimension_semantics<core_parallel>, #tpu.dimension_semantics<subcore_parallel>], iteration_bounds = array<i64: 2, 16>, scalar_prefetch = 0 : i64, scratch_operands = 7 : i64, tpu.core_type = #tpu.core_type<sc_vector_subcore>, window_params = [{transform_indices = #map}, {transform_indices = #map}]} {
    %mul3A = arith.constant 2 : i32
    %mul3A_0 = arith.muli %arg1, %mul3A : i32
    %add3A = arith.addi %mul3A_0, %arg0 : i32
    %lt3A = arith.constant 25 : i32
    %lt3A_1 = arith.cmpi slt, %add3A, %lt3A : i32
    %convert_element_type3A = arith.extui %lt3A_1 : i1 to i32
    %cond3A = arith.constant 0 : i32
    %cond3A_2 = arith.cmpi ne, %convert_element_type3A, %cond3A : i32
    scf.if %cond3A_2 {
      %mul3A_3 = arith.constant 256 : i32
      %mul3A_4 = arith.muli %add3A, %mul3A_3 : i32
      %mul3A_5 = arith.constant 4 : i32
      %mul3A_6 = arith.muli %add3A, %mul3A_5 : i32
      %add3A_7 = arith.constant 0 : i32
      %add3A_8 = arith.addi %mul3A_6, %add3A_7 : i32
      %broadcast_in_dim3A = vector.broadcast %add3A_8 : i32 to vector<16xi32>
      %swap3A = arith.constant 0 : index
      %swap3A_9 = tpu.vector_load %arg4[%swap3A] {strides = array<i32>} : memref<128xi32, #tpu.memory_space<vmem>>, vector<16xi32>,
      %swap3A_10 = vector.shape_cast %swap3A_9 : vector<16xi32> to vector<16xi32>
      %swap3A_11 = vector.shape_cast %broadcast_in_dim3A : vector<16xi32> to vector<16xi32>
      tpu.vector_store %arg4[%swap3A], %swap3A_11 {strides = array<i32>} : memref<128xi32, #tpu.memory_space<vmem>>, vector<16xi32>,
      %add3A_12 = arith.constant 0 : i32
      %add3A_13 = arith.addi %mul3A_6, %add3A_12 : i32
      %broadcast_in_dim3A_14 = vector.broadcast %add3A_13 : i32 to vector<16xi32>
      %swap3A_15 = arith.constant 16 : index
      %swap3A_16 = tpu.vector_load %arg4[%swap3A_15] {strides = array<i32>} : memref<128xi32, #tpu.memory_space<vmem>>, vector<16xi32>,
      %swap3A_17 = vector.shape_cast %swap3A_16 : vector<16xi32> to vector<16xi32>
      %swap3A_18 = vector.shape_cast %broadcast_in_dim3A_14 : vector<16xi32> to vector<16xi32>
      tpu.vector_store %arg4[%swap3A_15], %swap3A_18 {strides = array<i32>} : memref<128xi32, #tpu.memory_space<vmem>>, vector<16xi32>,
      %add3A_19 = arith.constant 0 : i32
      %add3A_20 = arith.addi %mul3A_6, %add3A_19 : i32
      %broadcast_in_dim3A_21 = vector.broadcast %add3A_20 : i32 to vector<16xi32>
      %swap3A_22 = arith.constant 32 : index
      %swap3A_23 = tpu.vector_load %arg4[%swap3A_22] {strides = array<i32>} : memref<128xi32, #tpu.memory_space<vmem>>, vector<16xi32>,
      %swap3A_24 = vector.shape_cast %swap3A_23 : vector<16xi32> to vector<16xi32>
      %swap3A_25 = vector.shape_cast %broadcast_in_dim3A_21 : vector<16xi32> to vector<16xi32>
      tpu.vector_store %arg4[%swap3A_22], %swap3A_25 {strides = array<i32>} : memref<128xi32, #tpu.memory_space<vmem>>, vector<16xi32>,
      %add3A_26 = arith.constant 0 : i32
      %add3A_27 = arith.addi %mul3A_6, %add3A_26 : i32
      %broadcast_in_dim3A_28 = vector.broadcast %add3A_27 : i32 to vector<16xi32>
      %swap3A_29 = arith.constant 48 : index
      %swap3A_30 = tpu.vector_load %arg4[%swap3A_29] {strides = array<i32>} : memref<128xi32, #tpu.memory_space<vmem>>, vector<16xi32>,
      %swap3A_31 = vector.shape_cast %swap3A_30 : vector<16xi32> to vector<16xi32>
      %swap3A_32 = vector.shape_cast %broadcast_in_dim3A_28 : vector<16xi32> to vector<16xi32>
      tpu.vector_store %arg4[%swap3A_29], %swap3A_32 {strides = array<i32>} : memref<128xi32, #tpu.memory_space<vmem>>, vector<16xi32>,
      %add3A_33 = arith.constant 1 : i32
      %add3A_34 = arith.addi %mul3A_6, %add3A_33 : i32
      %broadcast_in_dim3A_35 = vector.broadcast %add3A_34 : i32 to vector<16xi32>
      %swap3A_36 = arith.constant 64 : index
      %swap3A_37 = tpu.vector_load %arg4[%swap3A_36] {strides = array<i32>} : memref<128xi32, #tpu.memory_space<vmem>>, vector<16xi32>,
      %swap3A_38 = vector.shape_cast %swap3A_37 : vector<16xi32> to vector<16xi32>
      %swap3A_39 = vector.shape_cast %broadcast_in_dim3A_35 : vector<16xi32> to vector<16xi32>
      tpu.vector_store %arg4[%swap3A_36], %swap3A_39 {strides = array<i32>} : memref<128xi32, #tpu.memory_space<vmem>>, vector<16xi32>,
      %add3A_40 = arith.constant 1 : i32
      %add3A_41 = arith.addi %mul3A_6, %add3A_40 : i32
      %broadcast_in_dim3A_42 = vector.broadcast %add3A_41 : i32 to vector<16xi32>
      %swap3A_43 = arith.constant 80 : index
      %swap3A_44 = tpu.vector_load %arg4[%swap3A_43] {strides = array<i32>} : memref<128xi32, #tpu.memory_space<vmem>>, vector<16xi32>,
      %swap3A_45 = vector.shape_cast %swap3A_44 : vector<16xi32> to vector<16xi32>
      %swap3A_46 = vector.shape_cast %broadcast_in_dim3A_42 : vector<16xi32> to vector<16xi32>
      tpu.vector_store %arg4[%swap3A_43], %swap3A_46 {strides = array<i32>} : memref<128xi32, #tpu.memory_space<vmem>>, vector<16xi32>,
      %add3A_47 = arith.constant 1 : i32
      %add3A_48 = arith.addi %mul3A_6, %add3A_47 : i32
      %broadcast_in_dim3A_49 = vector.broadcast %add3A_48 : i32 to vector<16xi32>
      %swap3A_50 = arith.constant 96 : index
      %swap3A_51 = tpu.vector_load %arg4[%swap3A_50] {strides = array<i32>} : memref<128xi32, #tpu.memory_space<vmem>>, vector<16xi32>,
      %swap3A_52 = vector.shape_cast %swap3A_51 : vector<16xi32> to vector<16xi32>
      %swap3A_53 = vector.shape_cast %broadcast_in_dim3A_49 : vector<16xi32> to vector<16xi32>
      tpu.vector_store %arg4[%swap3A_50], %swap3A_53 {strides = array<i32>} : memref<128xi32, #tpu.memory_space<vmem>>, vector<16xi32>,
      %add3A_54 = arith.constant 1 : i32
      %add3A_55 = arith.addi %mul3A_6, %add3A_54 : i32
      %broadcast_in_dim3A_56 = vector.broadcast %add3A_55 : i32 to vector<16xi32>
      %swap3A_57 = arith.constant 112 : index
      %swap3A_58 = tpu.vector_load %arg4[%swap3A_57] {strides = array<i32>} : memref<128xi32, #tpu.memory_space<vmem>>, vector<16xi32>,
      %swap3A_59 = vector.shape_cast %swap3A_58 : vector<16xi32> to vector<16xi32>
      %swap3A_60 = vector.shape_cast %broadcast_in_dim3A_56 : vector<16xi32> to vector<16xi32>
      tpu.vector_store %arg4[%swap3A_57], %swap3A_60 {strides = array<i32>} : memref<128xi32, #tpu.memory_space<vmem>>, vector<16xi32>,
      %add3A_61 = arith.constant 2 : i32
      %add3A_62 = arith.addi %mul3A_6, %add3A_61 : i32
      %broadcast_in_dim3A_63 = vector.broadcast %add3A_62 : i32 to vector<16xi32>
      %swap3A_64 = arith.constant 0 : index
      %swap3A_65 = tpu.vector_load %arg5[%swap3A_64] {strides = array<i32>} : memref<128xi32, #tpu.memory_space<vmem>>, vector<16xi32>,
      %swap3A_66 = vector.shape_cast %swap3A_65 : vector<16xi32> to vector<16xi32>
      %swap3A_67 = vector.shape_cast %broadcast_in_dim3A_63 : vector<16xi32> to vector<16xi32>
      tpu.vector_store %arg5[%swap3A_64], %swap3A_67 {strides = array<i32>} : memref<128xi32, #tpu.memory_space<vmem>>, vector<16xi32>,
      %add3A_68 = arith.constant 2 : i32
      %add3A_69 = arith.addi %mul3A_6, %add3A_68 : i32
      %broadcast_in_dim3A_70 = vector.broadcast %add3A_69 : i32 to vector<16xi32>
      %swap3A_71 = arith.constant 16 : index
      %swap3A_72 = tpu.vector_load %arg5[%swap3A_71] {strides = array<i32>} : memref<128xi32, #tpu.memory_space<vmem>>, vector<16xi32>,
      %swap3A_73 = vector.shape_cast %swap3A_72 : vector<16xi32> to vector<16xi32>
      %swap3A_74 = vector.shape_cast %broadcast_in_dim3A_70 : vector<16xi32> to vector<16xi32>
      tpu.vector_store %arg5[%swap3A_71], %swap3A_74 {strides = array<i32>} : memref<128xi32, #tpu.memory_space<vmem>>, vector<16xi32>,
      %add3A_75 = arith.constant 2 : i32
      %add3A_76 = arith.addi %mul3A_6, %add3A_75 : i32
      %broadcast_in_dim3A_77 = vector.broadcast %add3A_76 : i32 to vector<16xi32>
      %swap3A_78 = arith.constant 32 : index
      %swap3A_79 = tpu.vector_load %arg5[%swap3A_78] {strides = array<i32>} : memref<128xi32, #tpu.memory_space<vmem>>, vector<16xi32>,
      %swap3A_80 = vector.shape_cast %swap3A_79 : vector<16xi32> to vector<16xi32>
      %swap3A_81 = vector.shape_cast %broadcast_in_dim3A_77 : vector<16xi32> to vector<16xi32>
      tpu.vector_store %arg5[%swap3A_78], %swap3A_81 {strides = array<i32>} : memref<128xi32, #tpu.memory_space<vmem>>, vector<16xi32>,
      %add3A_82 = arith.constant 2 : i32
      %add3A_83 = arith.addi %mul3A_6, %add3A_82 : i32
      %broadcast_in_dim3A_84 = vector.broadcast %add3A_83 : i32 to vector<16xi32>
      %swap3A_85 = arith.constant 48 : index
      %swap3A_86 = tpu.vector_load %arg5[%swap3A_85] {strides = array<i32>} : memref<128xi32, #tpu.memory_space<vmem>>, vector<16xi32>,
      %swap3A_87 = vector.shape_cast %swap3A_86 : vector<16xi32> to vector<16xi32>
      %swap3A_88 = vector.shape_cast %broadcast_in_dim3A_84 : vector<16xi32> to vector<16xi32>
      tpu.vector_store %arg5[%swap3A_85], %swap3A_88 {strides = array<i32>} : memref<128xi32, #tpu.memory_space<vmem>>, vector<16xi32>,
      %add3A_89 = arith.constant 3 : i32
      %add3A_90 = arith.addi %mul3A_6, %add3A_89 : i32
      %broadcast_in_dim3A_91 = vector.broadcast %add3A_90 : i32 to vector<16xi32>
      %swap3A_92 = arith.constant 64 : index
      %swap3A_93 = tpu.vector_load %arg5[%swap3A_92] {strides = array<i32>} : memref<128xi32, #tpu.memory_space<vmem>>, vector<16xi32>,
      %swap3A_94 = vector.shape_cast %swap3A_93 : vector<16xi32> to vector<16xi32>
      %swap3A_95 = vector.shape_cast %broadcast_in_dim3A_91 : vector<16xi32> to vector<16xi32>
      tpu.vector_store %arg5[%swap3A_92], %swap3A_95 {strides = array<i32>} : memref<128xi32, #tpu.memory_space<vmem>>, vector<16xi32>,
      %add3A_96 = arith.constant 3 : i32
      %add3A_97 = arith.addi %mul3A_6, %add3A_96 : i32
      %broadcast_in_dim3A_98 = vector.broadcast %add3A_97 : i32 to vector<16xi32>
      %swap3A_99 = arith.constant 80 : index
      %swap3A_100 = tpu.vector_load %arg5[%swap3A_99] {strides = array<i32>} : memref<128xi32, #tpu.memory_space<vmem>>, vector<16xi32>,
      %swap3A_101 = vector.shape_cast %swap3A_100 : vector<16xi32> to vector<16xi32>
      %swap3A_102 = vector.shape_cast %broadcast_in_dim3A_98 : vector<16xi32> to vector<16xi32>
      tpu.vector_store %arg5[%swap3A_99], %swap3A_102 {strides = array<i32>} : memref<128xi32, #tpu.memory_space<vmem>>, vector<16xi32>,
      %add3A_103 = arith.constant 3 : i32
      %add3A_104 = arith.addi %mul3A_6, %add3A_103 : i32
      %broadcast_in_dim3A_105 = vector.broadcast %add3A_104 : i32 to vector<16xi32>
      %swap3A_106 = arith.constant 96 : index
      %swap3A_107 = tpu.vector_load %arg5[%swap3A_106] {strides = array<i32>} : memref<128xi32, #tpu.memory_space<vmem>>, vector<16xi32>,
      %swap3A_108 = vector.shape_cast %swap3A_107 : vector<16xi32> to vector<16xi32>
      %swap3A_109 = vector.shape_cast %broadcast_in_dim3A_105 : vector<16xi32> to vector<16xi32>
      tpu.vector_store %arg5[%swap3A_106], %swap3A_109 {strides = array<i32>} : memref<128xi32, #tpu.memory_space<vmem>>, vector<16xi32>,
      %add3A_110 = arith.constant 3 : i32
      %add3A_111 = arith.addi %mul3A_6, %add3A_110 : i32
      %broadcast_in_dim3A_112 = vector.broadcast %add3A_111 : i32 to vector<16xi32>
      %swap3A_113 = arith.constant 112 : index
      %swap3A_114 = tpu.vector_load %arg5[%swap3A_113] {strides = array<i32>} : memref<128xi32, #tpu.memory_space<vmem>>, vector<16xi32>,
      %swap3A_115 = vector.shape_cast %swap3A_114 : vector<16xi32> to vector<16xi32>
      %swap3A_116 = vector.shape_cast %broadcast_in_dim3A_112 : vector<16xi32> to vector<16xi32>
      tpu.vector_store %arg5[%swap3A_113], %swap3A_116 {strides = array<i32>} : memref<128xi32, #tpu.memory_space<vmem>>, vector<16xi32>,
      %dma_start3A = arith.constant 0 : i32
      %dma_start3A_117 = arith.constant 0 : i32
      %dma_start3A_118 = tpu.memref_slice %arg2[%dma_start3A, %dma_start3A_117] : memref<100x256xf32, #tpu.memory_space<hbm>> -> memref<100x256xf32, #tpu.memory_space<hbm>>
      tpu.enqueue_indirect_dma source(%dma_start3A_118 : memref<100x256xf32, #tpu.memory_space<hbm>>) target(%arg6 : memref<128x256xf32, #tpu.memory_space<vmem>>) offsets(%arg4 : memref<128xi32, #tpu.memory_space<vmem>>) semaphore(%arg8 : memref<!tpu.dma_semaphore, #tpu.memory_space<semaphore_mem>>)
      %dma_start3A_119 = arith.constant 0 : i32
      %dma_start3A_120 = arith.constant 0 : i32
      %dma_start3A_121 = tpu.memref_slice %arg2[%dma_start3A_119, %dma_start3A_120] : memref<100x256xf32, #tpu.memory_space<hbm>> -> memref<100x256xf32, #tpu.memory_space<hbm>>
      tpu.enqueue_indirect_dma source(%dma_start3A_121 : memref<100x256xf32, #tpu.memory_space<hbm>>) target(%arg7 : memref<128x256xf32, #tpu.memory_space<vmem>>) offsets(%arg5 : memref<128xi32, #tpu.memory_space<vmem>>) semaphore(%arg9 : memref<!tpu.dma_semaphore, #tpu.memory_space<semaphore_mem>>)
      %dma_wait3A = arith.constant 0 : i32
      %dma_wait3A_122 = arith.constant 0 : i32
      %dma_wait3A_123 = tpu.memref_slice %arg2[%dma_wait3A, %dma_wait3A_122] : memref<100x256xf32, #tpu.memory_space<hbm>> -> memref<100x256xf32, #tpu.memory_space<hbm>>
      tpu.wait_indirect_dma semaphore(%arg8 : memref<!tpu.dma_semaphore, #tpu.memory_space<semaphore_mem>>) src(%dma_wait3A_123 : memref<100x256xf32, #tpu.memory_space<hbm>>) dst(%arg6 : memref<128x256xf32, #tpu.memory_space<vmem>>)
      %dma_start3A_124 = arith.constant 0 : i32
      %dma_start3A_125 = tpu.memref_slice %arg3[%mul3A_4, %dma_start3A_124] : memref<6400x256xf32, #tpu.memory_space<hbm>> -> memref<128x256xf32, #tpu.memory_space<hbm>>
      %dma_start3A_126 = arith.constant 0 : i32
      %dma_start3A_127 = tpu.memref_slice %arg3[%mul3A_4, %dma_start3A_126] : memref<6400x256xf32, #tpu.memory_space<hbm>> -> memref<128x256xf32, #tpu.memory_space<hbm>>
      tpu.enqueue_dma source(%arg6 : memref<128x256xf32, #tpu.memory_space<vmem>>) target(%dma_start3A_127 : memref<128x256xf32, #tpu.memory_space<hbm>>) target_semaphore(%arg10 : memref<!tpu.dma_semaphore, #tpu.memory_space<semaphore_mem>>)
      %dma_wait3A_128 = arith.constant 0 : i32
      %dma_wait3A_129 = arith.constant 0 : i32
      %dma_wait3A_130 = tpu.memref_slice %arg2[%dma_wait3A_128, %dma_wait3A_129] : memref<100x256xf32, #tpu.memory_space<hbm>> -> memref<100x256xf32, #tpu.memory_space<hbm>>
      tpu.wait_indirect_dma semaphore(%arg9 : memref<!tpu.dma_semaphore, #tpu.memory_space<semaphore_mem>>) src(%dma_wait3A_130 : memref<100x256xf32, #tpu.memory_space<hbm>>) dst(%arg7 : memref<128x256xf32, #tpu.memory_space<vmem>>)
      %add3A_131 = arith.constant 128 : i32
      %add3A_132 = arith.addi %mul3A_4, %add3A_131 : i32
      %dma_start3A_133 = arith.constant 0 : i32
      %dma_start3A_134 = tpu.memref_slice %arg3[%add3A_132, %dma_start3A_133] : memref<6400x256xf32, #tpu.memory_space<hbm>> -> memref<128x256xf32, #tpu.memory_space<hbm>>
      %dma_start3A_135 = arith.constant 0 : i32
      %dma_start3A_136 = tpu.memref_slice %arg3[%add3A_132, %dma_start3A_135] : memref<6400x256xf32, #tpu.memory_space<hbm>> -> memref<128x256xf32, #tpu.memory_space<hbm>>
      tpu.enqueue_dma source(%arg7 : memref<128x256xf32, #tpu.memory_space<vmem>>) target(%dma_start3A_136 : memref<128x256xf32, #tpu.memory_space<hbm>>) target_semaphore(%arg10 : memref<!tpu.dma_semaphore, #tpu.memory_space<semaphore_mem>>)
      %dma_wait3A_137 = arith.constant 0 : i32
      %dma_wait3A_138 = tpu.memref_slice %arg3[%mul3A_4, %dma_wait3A_137] : memref<6400x256xf32, #tpu.memory_space<hbm>> -> memref<128x256xf32, #tpu.memory_space<hbm>>
      %dma_wait3A_139 = arith.constant 0 : i32
      %dma_wait3A_140 = tpu.memref_slice %arg3[%mul3A_4, %dma_wait3A_139] : memref<6400x256xf32, #tpu.memory_space<hbm>> -> memref<128x256xf32, #tpu.memory_space<hbm>>
      tpu.wait_dma2 semaphore(%arg10 : memref<!tpu.dma_semaphore, #tpu.memory_space<semaphore_mem>>) src(%arg6 : memref<128x256xf32, #tpu.memory_space<vmem>>) dst(%dma_wait3A_140 : memref<128x256xf32, #tpu.memory_space<hbm>>)
      %dma_wait3A_141 = arith.constant 0 : i32
      %dma_wait3A_142 = tpu.memref_slice %arg3[%add3A_132, %dma_wait3A_141] : memref<6400x256xf32, #tpu.memory_space<hbm>> -> memref<128x256xf32, #tpu.memory_space<hbm>>
      %dma_wait3A_143 = arith.constant 0 : i32
      %dma_wait3A_144 = tpu.memref_slice %arg3[%add3A_132, %dma_wait3A_143] : memref<6400x256xf32, #tpu.memory_space<hbm>> -> memref<128x256xf32, #tpu.memory_space<hbm>>
      tpu.wait_dma2 semaphore(%arg10 : memref<!tpu.dma_semaphore, #tpu.memory_space<semaphore_mem>>) src(%arg7 : memref<128x256xf32, #tpu.memory_space<vmem>>) dst(%dma_wait3A_144 : memref<128x256xf32, #tpu.memory_space<hbm>>)
    } else {
    }
    return
  }
}

module attributes {stable_mosaic.version = 14 : i64} {
  func.func @_tc_zeros_body(%arg0: i32, %arg1: memref<20x64x256xf32, #tpu.memory_space<vmem>>) attributes {dimension_semantics = [#tpu.dimension_semantics<arbitrary>], iteration_bounds = array<i64: 5>, scalar_prefetch = 0 : i64, scratch_operands = 0 : i64, tpu.core_type = #tpu.core_type<tc>, window_params = [{transform_indices = @transform_0, window_bounds = array<i64: 20, 64, 256>}]} {
    %broadcast_in_dim3A = arith.constant 0.000000e+00 : f32
    %broadcast_in_dim3A_0 = vector.broadcast %broadcast_in_dim3A : f32 to vector<20x64x256xf32>
    %swap3A = arith.constant 0 : index
    %swap3A_1 = arith.constant 0 : index
    %swap3A_2 = arith.constant 0 : index
    %swap3A_3 = vector.load %arg1[%swap3A, %swap3A_1, %swap3A_2] : memref<20x64x256xf32, #tpu.memory_space<vmem>>, vector<20x64x256xf32>
    tpu.vector_store %arg1[%swap3A, %swap3A_1, %swap3A_2], %broadcast_in_dim3A_0 {strides = array<i32>} : memref<20x64x256xf32, #tpu.memory_space<vmem>>, vector<20x64x256xf32>,
    return
  }
  func.func @transform_0(%arg0: i32) -> (i32, i32, i32) {
    %c0_i32 = arith.constant 0 : i32
    %c0_i32_0 = arith.constant 0 : i32
    %c0_i32_1 = arith.constant 0 : i32
    return %arg0, %c0_i32, %c0_i32_0 : i32, i32, i32
  }
}

</mosaic_0001>

<sc_bundles>
// kernel: kernel.4.cloned.1.call-start
scs
__scs_entry_jumppad:
0x0: {  	(pc) =	sbr.rel $0x88, $3  }
0x1: {  	(tag) =	ssettag $0x0;
	lr =	simm.s32 $0x1  }
0x2: {  	[smem:$0x3FA0] =	sst lr;
	_ =	strace $0xD0000000  }
0x3: {  	_ = 	snop  }
0x4: {  	_ = 	snop  }
0x5: {  	_ = 	snop  }
0x6: {  	_ = 	snop  }
0x7: {  	_ = 	snop  }
__scs_overlays_trampoline_lowered:
0x8: {  	[smem:$0x3FAF] =	sst s0  }
0x9: {  	[smem:$0x3FB0] =	sst s1  }
0xa: {  	[smem:$0x3FB1] =	sst s2  }
0xb: {  	[smem:$0x3FB2] =	sst s3  }
0xc: {  	[smem:$0x3FB3] =	sst s4  }
0xd: {  	[smem:$0x3FB4] =	sst s5  }
0xe: {  	[smem:$0x3FB5] =	sst s6  }
0xf: {  	[smem:$0x3FB6] =	sst s7  }
0x10: {  	[smem:$0x3FB7] =	sst s8  }
0x11: {  	[smem:$0x3FB8] =	sst s9;
	s0 =	simm.s32 @!p0 $0x0  }
0x12: {  	s1 =	sld [smem:$0x3F9E];
	s0 =	simm.s32 @p0 $0x1  }
0x13: {  	[smem:$0x3FB9] =	sst s0;
	s0 =	simm.s32 @!p1 $0x0  }
0x14: {  	s2 =	sld [smem:$0x3F9D];
	s0 =	simm.s32 @p1 $0x1  }
0x15: {  	[smem:$0x3FBA] =	sst s0;
	s0 =	simm.s32 @!p2 $0x0  }
0x16: {  	s3 =	sld [smem:$0x3FDB];
	s0 =	simm.s32 @p2 $0x1  }
0x17: {  	s4 =	simm.s32 $0x1BF5;
	[smem:$0x3FBC] =	sst s0  }
0x18: {  	s0 =	sld [smem:$0x3F9F];
	_ =	swait.ge [sflag:s4], $0x0  }
0x19: {  	s7 =	sld [smem:$0x3FA0]  }
0x1a: {  	s8 =	sadd.s32 $0xFFFFE003, lr  }
0x1b: {  	s9 =	sadd.s32 $0xFFFFFEF7, lr;
	s5 =	simm.s32 $0xFFFFFFFF;
	p2 =	slt.u32 s8, $0xFFFFF086  }
0x1c: {  	p1 =	slt.u32 s9, $0xF7A;
	s5 =	simm.s32 @!p2 $0x0  }
0x1d: {  	s5 =	simm.s32 @p1 $0x1;
	p0 =	seq.s32 s7, s2  }
0x1e: {  	s7 =	smul.u32 @!p0 $0xF7A, s2;
	p2 =	seq.s32 @!p0 s5, $0x0  }
0x1f: {  	s9 =	smul.u32 $0xF7A, s1;
	s8 =	simm.s32 @!p0 $0x1BF5;
	p2 =	por !p2, p0  }
0x20: {  	[sflag:s8] =	ssyncset.s32 @!p0 $0xFFFFF086;
	s6 =	sadd.s32 @!p0 s3, s7;
	s7 =	simm.s32 @!p0 $0x108  }
0x21: {  	s3 =	sadd.s32 s3, s9;
	s6 =	sadd.s32 @!p0 $0x88, s6;
	s7 =	simm.s32 @p2 $0x1082  }
0x22: {  	[simem:s7], [sflag:s8] =	dma.local @!p0 [hbm:s6], $0xF7A  }
0x23: {  	s9 =	sor.u32 $0xD0000000, s2;
	s6 =	simm.s32 $0x108;
	_ =	swait.ge @!p0 [sflag:s8], $0x0  }
0x24: {  	s3 =	sadd.s32 $0x88, s3;
	s6 =	simm.s32 @!p1 $0x1082;
	[sflag:s4] =	ssyncset.s32 $0xFFFFF086  }
0x25: {  	[simem:s6], [sflag:s4] =	dma.local [hbm:s3], $0xF7A  }
0x26: {  	[smem:$0x3FA0] =	sst s1;
	(tag) =	ssettag s2;
	_ =	strace s9  }
0x27: {  	s1 =	sld [smem:$0x3FB0]  }
0x28: {  	s2 =	sld [smem:$0x3FB1]  }
0x29: {  	s4 =	sld [smem:$0x3FB3]  }
0x2a: {  	p0 =	seq.s32 s5, $0x0;
	s5 =	sld [smem:$0x3FB4]  }
0x2b: {  	s6 =	sld [smem:$0x3FB5]  }
0x2c: {  	s7 =	sld [smem:$0x3FB6]  }
0x2d: {  	s3 =	simm.s32 $0x108;
	s8 =	sld [smem:$0x3FB7]  }
0x2e: {  	s3 =	simm.s32 @!p0 $0x1082;
	s9 =	sld [smem:$0x3FB8]  }
0x2f: {  	lr =	sadd.s32 s0, s3;
	s0 =	sld [smem:$0x3FAF]  }
0x30: {  	s3 =	sld [smem:$0x3FB2]  }
0x31: {  	[smem:$0x3FBB] =	sst s10  }
0x32: {  	s10 =	sld [smem:$0x3FB9];
	_ =	sdelay $0x3  }
0x33: {  	p0 =	seq.s32 s10, $0x1;
	s10 =	sld [smem:$0x3FBB];
	_ =	sdelay $0x3  }
0x34: {  	[smem:$0x3FBB] =	sst s10  }
0x35: {  	s10 =	sld [smem:$0x3FBA];
	_ =	sdelay $0x3  }
0x36: {  	p1 =	seq.s32 s10, $0x1;
	s10 =	sld [smem:$0x3FBB];
	_ =	sdelay $0x3  }
0x37: {  	[smem:$0x3FBB] =	sst s10  }
0x38: {  	s10 =	sld [smem:$0x3FBC]  }
0x39: {  	_ = 	snop;
	(pc) =	sbr.ind lr, $3  }
0x3a: {  	_ = 	snop  }
0x3b: {  	_ = 	snop  }
0x3c: {  	p2 =	seq.s32 s10, $0x1;
	s10 =	sld [smem:$0x3FBB]  }
0x3d: {  	_ =	shalt  }
0x3e: {  	_ =	shalt  }
0x3f: {  	_ =	shalt  }
0x40: {  	_ =	shalt  }
0x41: {  	_ =	shalt  }
0x42: {  	_ =	shalt  }
0x43: {  	_ =	shalt  }
0x44: {  	_ =	shalt  }
0x45: {  	_ =	shalt  }
0x46: {  	_ =	shalt  }
0x47: {  	_ =	shalt  }
0x48: {  	_ =	shalt  }
0x49: {  	_ =	shalt  }
0x4a: {  	_ =	shalt  }
0x4b: {  	_ =	shalt  }
0x4c: {  	_ =	shalt  }
0x4d: {  	_ =	shalt  }
0x4e: {  	_ =	shalt  }
0x4f: {  	_ =	shalt  }
0x50: {  	_ =	shalt  }
0x51: {  	_ =	shalt  }
0x52: {  	_ =	shalt  }
0x53: {  	_ =	shalt  }
0x54: {  	_ =	shalt  }
0x55: {  	_ =	shalt  }
0x56: {  	_ =	shalt  }
0x57: {  	_ =	shalt  }
0x58: {  	_ =	shalt  }
0x59: {  	_ =	shalt  }
0x5a: {  	_ =	shalt  }
0x5b: {  	_ =	shalt  }
0x5c: {  	_ =	shalt  }
0x5d: {  	_ =	shalt  }
0x5e: {  	_ =	shalt  }
0x5f: {  	_ =	shalt  }
0x60: {  	_ =	shalt  }
0x61: {  	_ =	shalt  }
0x62: {  	_ =	shalt  }
0x63: {  	_ =	shalt  }
0x64: {  	_ =	shalt  }
0x65: {  	_ =	shalt  }
0x66: {  	_ =	shalt  }
0x67: {  	_ =	shalt  }
0x68: {  	_ =	shalt  }
0x69: {  	_ =	shalt  }
0x6a: {  	_ =	shalt  }
0x6b: {  	_ =	shalt  }
0x6c: {  	_ =	shalt  }
0x6d: {  	_ =	shalt  }
0x6e: {  	_ =	shalt  }
0x6f: {  	_ =	shalt  }
0x70: {  	_ =	shalt  }
0x71: {  	_ =	shalt  }
0x72: {  	_ =	shalt  }
0x73: {  	_ =	shalt  }
0x74: {  	_ =	shalt  }
0x75: {  	_ =	shalt  }
0x76: {  	_ =	shalt  }
0x77: {  	_ =	shalt  }
0x78: {  	_ =	shalt  }
0x79: {  	_ =	shalt  }
0x7a: {  	_ =	shalt  }
0x7b: {  	_ =	shalt  }
0x7c: {  	_ =	shalt  }
0x7d: {  	_ =	shalt  }
0x7e: {  	_ =	shalt  }
0x7f: {  	_ =	shalt  }
0x80: {  	_ =	shalt  }
0x81: {  	_ =	shalt  }
0x82: {  	_ =	shalt  }
0x83: {  	_ =	shalt  }
0x84: {  	_ =	shalt  }
0x85: {  	_ =	shalt  }
0x86: {  	_ =	shalt  }
0x87: {  	_ =	shalt  }
.Lfunc_end0:
.L_simem_size_0:
called_computation_lowered:
.L_overlay_start_0:
0x88: {  	s2 =	sld [smem:$0x3FD9]  }
0x89: {  	s3 =	sld [smem:$0x3FFE];
	_ =	sdelay $0x1  }
0x8a: {  	s1 =	srdreg.scid  }
0x8b: {  	s0 =	sand.u32 $0x1, s1  }
0x8c: {  	s15 =	sshll.u32 s0, $0xA;
	s2 =	sadd.s32 s3, s2  }
0x8d: {  	s2 =	sadd.s32 s2, s15  }
0x8e: {  	[smem:$0x3FC7] =	sst s2  }
0x8f: {  	_ = 	snop  }
0x90: {  	s2 =	sld [smem:$0x3FD0];
	_ =	sdelay $0x2  }
0x91: {  	s4 =	simm.s32 $0xA;
	s5 =	simm.s32 $0x10;
	s16 =	sld [smem:$0x3FC9]  }
0x92: {  	[smem:s5], [sflag:s4] =	dma.local [hbm:s2], $0x1  }
0x93: {  	_ =	swait.eq [sflag:s4], $0x1  }
0x94: {  	[sflag:s4] =	ssyncset.done $0x0  }
0x95: {  	[sflag:s4] =	ssyncadd.s32 $0xFFFFFFFF  }
0x96: {  	s17 =	sld [smem:$0x11];
	(tm) =	ssettm $0x1  }
0x97: {  	s18 =	sld [smem:$0x3FFB];
	_ =	sdelay $0x3  }
0x98: {  	_ =	strace s18  }
0x99: {  	s4 =	sld [smem:$0x3FFC];
	_ =	sdelay $0x3  }
0x9a: {  	_ =	strace s4  }
0x9b: {  	s4 =	sld [smem:$0x3FFD];
	_ =	sdelay $0x3  }
0x9c: {  	_ =	strace s4  }
0x9d: {  	_ =	strace $0x8FFFFFFF  }
0x9e: {  	s19 =	sld [smem:$0x3FDB];
	_ =	sdelay $0x1  }
0x9f: {  	s20 =	simm.s32 $_scs_section_size  }
0xa0: {  	s6 =	simm.s32 $_size__tile_overlayer_lowered;
	s7 =	simm.s32 $_tile_overlayer_lowered  }
0xa1: {  	s23 =	simm.s32 $0x1BFF;
	s22 =	sshll.u32 s7, $0x1;
	s4 =	sadd.s32 s20, s19  }
0xa2: {  	s8 =	simm.s32 $0x0;
	s21 =	sshll.u32 s6, $0x1;
	s6 =	sadd.s32 s22, s4  }
0xa3: {  	[timem:s8], [sflag:s23] =	dma.local [hbm:s6], s21  }
0xa4: {  	_ =	swait.ge [sflag:s23], s21  }
0xa5: {  	s5 =	ssub.s32 $0x0, s21;
	[sflag:s23] =	ssyncset.done $0x0  }
0xa6: {  	[sflag:s23] =	ssyncadd.s32 s5;
	_ =	sdelay $0x1  }
0xa7: {  	s24 =	simm.s32 $0x1B8B  }
0xa8: {  	_ =	swait.ge [sflag:s24], $0x1  }
0xa9: {  	[sflag:s24] =	ssyncset.done $0x0  }
0xaa: {  	s25 =	simm.s32 $0x1B8E;
	[sflag:s24] =	ssyncadd.s32 $0xFFFFFFFF  }
0xab: {  	s26 =	simm.s32 $execute0_lowered;
	[smem:$0x3FD2] =	sst s25  }
0xac: {  	s5 =	sshll.u32 s26, $0x1;
	_ =	strace $0x80000046;
	[dreg:$0x1] =	wrdreg $0xFFFFFFFF  }
0xad: {  	s28 =	simm.s32 $_size_execute0_lowered;
	s4 =	sadd.s32 s4, s5;
	[dreg:$0x0] =	wrdreg $0x0  }
0xae: {  	s5 =	sshll.u32 s28, $0x1;
	[dreg:$0x2] =	wrdreg s4  }
0xaf: {  	[dreg:$0x3] =	wrdreg s5  }
0xb0: {  	[dreg:$0x4] =	wrdreg $0xC0  }
0xb1: {  	_ =	task [dreg:s8], $0x5FFFF  }
0xb2: {  	[dreg:$0x1] =	wrdreg $0xFFFFFFFF  }
0xb3: {  	[dreg:$0x0] =	wrdreg $0x60  }
0xb4: {  	[dreg:$0x2] =	wrdreg s16  }
0xb5: {  	[dreg:$0x3] =	wrdreg s17  }
0xb6: {  	[dreg:$0x4] =	wrdreg $0x9  }
0xb7: {  	_ =	task.clear_ibuf [dreg:s8], $0x5FFFF;
	_ =	strace $0x90000046  }
0xb8: {  	s29 =	simm.s32 $0x9;
	_ =	strace $0x80000048  }
0xb9: {  	_ =	swait.ge [sflag:s29], $0x1  }
0xba: {  	[sflag:s29] =	ssyncadd.s32 $0xFFFFFFFF  }
0xbb: {  	_ =	strace $0x90000048  }
0xbc: {  	_ =	sfence  }
0xbd: {  	s30 =	sld [smem:$0x0];
	_ =	sdelay $0x2  }
0xbe: {  	s31 =	sshll.u32 s1, $0xD;
	s1 =	sshrl.u32 s1, $0x2  }
0xbf: {  	s3 =	sand.u32 $0x4000, s31;
	s1 =	sadd.s32 s1, s30  }
0xc0: {  	s0 =	sor.u32 s3, s0;
	s1 =	sshll.u32 s1, $0x11  }
0xc1: {  	s0 =	sor.u32 s1, s0  }
0xc2: {  	s0 =	sadd.s32 $0x8F2B, s0  }
0xc3: {  	[sflag:s0] =	ssyncadd.remote.s32 $0x1  }
0xc4: {  	_ =	sfence.sel $0xFFFF  }
0xc5: {  	[dreg:$0x0] =	wrdreg $0xFFFFFFFF;
	(pc) =	sbr.abs _section_cstart, $3  }
0xc6: {  	[dreg:$0x1] =	wrdreg $0xFFFFFFFF  }
0xc7: {  	_ =	task.clear_ibuf [dreg:s8], $0x2FFFF;
	_ =	strace $0x9FFFFFFF  }
0xc8: {  	(tm) =	ssettm $0x7FFFFFFF  }
0xc9: {  	_ =	shalt  }
tec
execute0_lowered:
.L_overlay_start_1:
0x0: {  	(tag) =	ssettag $0x1  }
0x1: {  	s1 =	srdreg.scid;
	s0 =	stileid.u32  }
0x2: {  	s1 =	sand.u32 $0x1, s1;
	s5 =	sshll.u32 s0, $0x1  }
0x3: {  	s5 =	sor.u32 s1, s5  }
0x4: {  	p0 =	sgt.u32 s5, $0x18  }
.Ltmp0:
0x5: {  	_ = 	snop;
	(pc) =	sbr.rel @p0 .LBB2_3-.Ltmp0, $4  }
0x6: {  	_ = 	snop  }
0x7: {  	s2 =	rddreg [dreg:$0x0];
	s3 =	simm.s32 $0x0  }
0x8: {  	[smem:$0x7FF] =	sst s3  }
0x9: {  	s4 =	rddreg [dreg:$0x1];
	_ =	strace $0x80000047  }
0xa: {  	s6 =	sshll.u32 s5, $0xD  }
0xb: {  	s13 =	simm.s32 $0x900;
	s20 =	sshll.u32 s5, $0x2;
	s14 =	simm.s32 $0x1100  }
0xc: {  	s15 =	simm.s32 $0x1900;
	s16 =	simm.s32 $0x2100;
	s26 =	sshllo.u32 s5, $0x2  }
0xd: {  	s17 =	simm.s32 $0x2900;
	s1 =	ssub.s32 $0x2, s1;
	s18 =	simm.s32 $0x3100  }
0xe: {  	s21 =	simm.s32 $0x3900;
	s22 =	simm.s32 $0x4100;
	[dreg:$0x4] =	wrdreg s13  }
0xf: {  	s25 =	simm.s32 $0x4900;
	s8 =	simm.s32 $0x5900;
	[dreg:$0x5] =	wrdreg s14  }
0x10: {  	s9 =	simm.s32 $0x6100;
	s10 =	simm.s32 $0x6900;
	[dreg:$0x6] =	wrdreg s15  }
0x11: {  	s11 =	simm.s32 $0x7100;
	s12 =	simm.s32 $0x7900;
	[dreg:$0x7] =	wrdreg s16  }
0x12: {  	s28 =	simm.s32 $0xF100;
	s29 =	simm.s32 $0xF900;
	[dreg:$0x8] =	wrdreg s17  }
0x13: {  	s30 =	simm.s32 $0x1;
	s31 =	simm.s32 $0x2;
	[dreg:$0x9] =	wrdreg s18  }
0x14: {  	s4 =	sadd.s32 s4, s6;
	s23 =	sor.u32 $0x1, s20;
	[dreg:$0xa] =	wrdreg s21  }
0x15: {  	s24 =	sor.u32 $0x2, s20;
	s19 =	sshrl.u32 s1, $0x1;
	[dreg:$0xb] =	wrdreg s22  }
0x16: {  	[dreg:$0xc] =	wrdreg s25;
	s13 =	simm.s32 $0x8100;
	s14 =	simm.s32 $0x8900  }
0x17: {  	s15 =	simm.s32 $0x9100;
	s16 =	simm.s32 $0x9900;
	s17 =	simm.s32 $0xA100  }
0x18: {  	s18 =	simm.s32 $0xA900;
	v0 =	vmov s20;
	s20 =	simm.s32 $0xB900;
	s21 =	simm.s32 $0xC100  }
0x19: {  	s22 =	simm.s32 $0xC900;
	s25 =	simm.s32 $0xE100;
	v3 =	vmov s26;
	s26 =	simm.s32 $0xE900  }
0x1a: {  	v6 =	vlaneseq.u32;
	vm0 =	vmmov $0xffff;
	s6 =	sadd.s32 $0x1000, s4;
	s1 =	ssub.s32 s1, s19;
	s19 =	simm.s32 $0xB100  }
0x1b: {  	v5 =	vshrl.u32 v6, $0x3;
	v1 =	vmov s23;
	v2 =	vmov s24;
	s23 =	simm.s32 $0xD100;
	s24 =	simm.s32 $0xD900;
	[dreg:$0x3] =	wrdreg s6  }
0x1c: {  	v4 =	vand.u32 $0x7, v6;
	v6 =	vor.u32 $0x8, v6;
	v5 =	vmul.u32 $0x8, v5;
	s5 =	smax.u32 s1, $0x1;
	s6 =	simm.s32 $0x100;
	s1 =	simm.s32 $0x3  }
.LBB2_2:
0x1d: {  	[tilespmem:$0x0] =	vst v0  }
0x1e: {  	[tilespmem:$0x10] =	vst v0;
	v7 =	vld [tilespmem:$0x0]  }
0x1f: {  	[tilespmem:$0x20] =	vst v0  }
0x20: {  	[tilespmem:$0x30] =	vst v0  }
0x21: {  	[tilespmem:$0x40] =	vst v1  }
0x22: {  	[tilespmem:$0x50] =	vst v1  }
0x23: {  	[tilespmem:$0x60] =	vst v1;
	v8 =	vshll.u32 v7, $0x1  }
0x24: {  	[tilespmem:$0x70] =	vst v1;
	v7 =	vand.u32 $0x7, v7;
	v8 =	vand.u32 $0xFFFFFFF0, v8  }
0x25: {  	[tilespmem:$0x80] =	vst v2;
	v7 =	vor.u32 v7, v8  }
0x26: {  	[tilespmem:$0x90] =	vst v2;
	v8 =	vperm.xlane v7, v4  }
0x27: {  	[tilespmem:$0xA0] =	vst v2  }
0x28: {  	[tilespmem:$0xB0] =	vst v2;
	v7 =	vperm.xlane v7, v6;
	v8 =	vadd.s32 v5, v8  }
0x29: {  	[tilespmem:$0xC0] =	vst v3  }
0x2a: {  	[tilespmem:$0xD0] =	vst v3;
	v7 =	vadd.s32 v5, v7  }
0x2b: {  	[tilespmem:$0xE0] =	vst v3  }
0x2c: {  	[tilespmem:$0xF0] =	vst v3  }
0x2d: {  	[tilespmem:s6], [sflag:$0x1] =	stream.indirect_vreg.gather [hbm4b:s2+s3], $0x80, v8, vm0, $0xb8;
	[tilespmem:$0x10100] =	vst v63  }
0x2e: {  	s0 =	rddreg [dreg:$0x4]  }
0x2f: {  	[tilespmem:s0], [sflag:$0x1] =	stream.indirect_vreg.gather [hbm4b:s2+s3], $0x80, v7, vm0, $0xb8;
	[tilespmem:$0x10100] =	vst v63  }
0x30: {  	v7 =	vld [tilespmem:$0x10];
	_ =	sdelay $0x4  }
0x31: {  	v8 =	vshll.u32 v7, $0x1  }
0x32: {  	v7 =	vand.u32 $0x7, v7;
	v8 =	vand.u32 $0xFFFFFFF0, v8  }
0x33: {  	v7 =	vor.u32 v7, v8  }
0x34: {  	v8 =	vperm.xlane v7, v4;
	_ =	sdelay $0x1  }
0x35: {  	v7 =	vperm.xlane v7, v6;
	v8 =	vadd.s32 v5, v8;
	_ =	sdelay $0x1  }
0x36: {  	v7 =	vadd.s32 v5, v7;
	_ =	sdelay $0x1  }
0x37: {  	s0 =	rddreg [dreg:$0x5]  }
0x38: {  	[tilespmem:s0], [sflag:$0x1] =	stream.indirect_vreg.gather [hbm4b:s2+s3], $0x80, v8, vm0, $0xb8;
	[tilespmem:$0x10100] =	vst v63  }
0x39: {  	s7 =	rddreg [dreg:$0x6]  }
0x3a: {  	[tilespmem:s7], [sflag:$0x1] =	stream.indirect_vreg.gather [hbm4b:s2+s3], $0x80, v7, vm0, $0xb8;
	[tilespmem:$0x10100] =	vst v63  }
0x3b: {  	v7 =	vld [tilespmem:$0x20];
	_ =	sdelay $0x4  }
0x3c: {  	v8 =	vshll.u32 v7, $0x1  }
0x3d: {  	v7 =	vand.u32 $0x7, v7;
	v8 =	vand.u32 $0xFFFFFFF0, v8  }
0x3e: {  	v7 =	vor.u32 v7, v8  }
0x3f: {  	v8 =	vperm.xlane v7, v4;
	_ =	sdelay $0x1  }
0x40: {  	v7 =	vperm.xlane v7, v6;
	v8 =	vadd.s32 v5, v8;
	_ =	sdelay $0x1  }
0x41: {  	v7 =	vadd.s32 v5, v7;
	_ =	sdelay $0x1  }
0x42: {  	s0 =	rddreg [dreg:$0x7]  }
0x43: {  	[tilespmem:s0], [sflag:$0x1] =	stream.indirect_vreg.gather [hbm4b:s2+s3], $0x80, v8, vm0, $0xb8;
	[tilespmem:$0x10100] =	vst v63  }
0x44: {  	s7 =	rddreg [dreg:$0x8]  }
0x45: {  	[tilespmem:s7], [sflag:$0x1] =	stream.indirect_vreg.gather [hbm4b:s2+s3], $0x80, v7, vm0, $0xb8;
	[tilespmem:$0x10100] =	vst v63  }
0x46: {  	v7 =	vld [tilespmem:$0x30];
	_ =	sdelay $0x4  }
0x47: {  	v8 =	vshll.u32 v7, $0x1  }
0x48: {  	v7 =	vand.u32 $0x7, v7;
	v8 =	vand.u32 $0xFFFFFFF0, v8  }
0x49: {  	v7 =	vor.u32 v7, v8  }
0x4a: {  	v8 =	vperm.xlane v7, v4;
	_ =	sdelay $0x1  }
0x4b: {  	v7 =	vperm.xlane v7, v6;
	v8 =	vadd.s32 v5, v8;
	_ =	sdelay $0x1  }
0x4c: {  	v7 =	vadd.s32 v5, v7;
	_ =	sdelay $0x1  }
0x4d: {  	s0 =	rddreg [dreg:$0x9]  }
0x4e: {  	[tilespmem:s0], [sflag:$0x1] =	stream.indirect_vreg.gather [hbm4b:s2+s3], $0x80, v8, vm0, $0xb8;
	[tilespmem:$0x10100] =	vst v63  }
0x4f: {  	s7 =	rddreg [dreg:$0xa]  }
0x50: {  	[tilespmem:s7], [sflag:$0x1] =	stream.indirect_vreg.gather [hbm4b:s2+s3], $0x80, v7, vm0, $0xb8;
	[tilespmem:$0x10100] =	vst v63  }
0x51: {  	v7 =	vld [tilespmem:$0x40];
	_ =	sdelay $0x4  }
0x52: {  	v8 =	vshll.u32 v7, $0x1  }
0x53: {  	v7 =	vand.u32 $0x7, v7;
	v8 =	vand.u32 $0xFFFFFFF0, v8  }
0x54: {  	v7 =	vor.u32 v7, v8  }
0x55: {  	v8 =	vperm.xlane v7, v4;
	_ =	sdelay $0x1  }
0x56: {  	v7 =	vperm.xlane v7, v6;
	v8 =	vadd.s32 v5, v8;
	_ =	sdelay $0x1  }
0x57: {  	v7 =	vadd.s32 v5, v7;
	_ =	sdelay $0x1  }
0x58: {  	s0 =	rddreg [dreg:$0xb]  }
0x59: {  	[tilespmem:s0], [sflag:$0x1] =	stream.indirect_vreg.gather [hbm4b:s2+s3], $0x80, v8, vm0, $0xb8;
	[tilespmem:$0x10100] =	vst v63  }
0x5a: {  	s7 =	rddreg [dreg:$0xc]  }
0x5b: {  	[tilespmem:s7], [sflag:$0x1] =	stream.indirect_vreg.gather [hbm4b:s2+s3], $0x80, v7, vm0, $0xb8;
	[tilespmem:$0x10100] =	vst v63  }
0x5c: {  	v7 =	vld [tilespmem:$0x50];
	_ =	sdelay $0x4  }
0x5d: {  	v8 =	vshll.u32 v7, $0x1  }
0x5e: {  	v7 =	vand.u32 $0x7, v7;
	v8 =	vand.u32 $0xFFFFFFF0, v8  }
0x5f: {  	v7 =	vor.u32 v7, v8  }
0x60: {  	v8 =	vperm.xlane v7, v4;
	_ =	sdelay $0x1  }
0x61: {  	v7 =	vperm.xlane v7, v6;
	v8 =	vadd.s32 v5, v8;
	_ =	sdelay $0x1  }
0x62: {  	v7 =	vadd.s32 v5, v7;
	_ =	sdelay $0x1  }
0x63: {  	s7 =	simm.s32 $0x5100  }
0x64: {  	[tilespmem:s7], [sflag:$0x1] =	stream.indirect_vreg.gather [hbm4b:s2+s3], $0x80, v8, vm0, $0xb8;
	[tilespmem:$0x10100] =	vst v63  }
0x65: {  	_ = 	snop  }
0x66: {  	[tilespmem:s8], [sflag:$0x1] =	stream.indirect_vreg.gather [hbm4b:s2+s3], $0x80, v7, vm0, $0xb8;
	[tilespmem:$0x10100] =	vst v63  }
0x67: {  	v7 =	vld [tilespmem:$0x60];
	_ =	sdelay $0x4  }
0x68: {  	v8 =	vshll.u32 v7, $0x1  }
0x69: {  	v7 =	vand.u32 $0x7, v7;
	v8 =	vand.u32 $0xFFFFFFF0, v8  }
0x6a: {  	v7 =	vor.u32 v7, v8  }
0x6b: {  	v8 =	vperm.xlane v7, v4;
	_ =	sdelay $0x1  }
0x6c: {  	v7 =	vperm.xlane v7, v6;
	v8 =	vadd.s32 v5, v8;
	_ =	sdelay $0x1  }
0x6d: {  	v7 =	vadd.s32 v5, v7;
	_ =	sdelay $0x2  }
0x6e: {  	[tilespmem:s9], [sflag:$0x1] =	stream.indirect_vreg.gather [hbm4b:s2+s3], $0x80, v8, vm0, $0xb8;
	[tilespmem:$0x10100] =	vst v63  }
0x6f: {  	_ = 	snop  }
0x70: {  	[tilespmem:s10], [sflag:$0x1] =	stream.indirect_vreg.gather [hbm4b:s2+s3], $0x80, v7, vm0, $0xb8;
	[tilespmem:$0x10100] =	vst v63  }
0x71: {  	v7 =	vld [tilespmem:$0x70];
	_ =	sdelay $0x4  }
0x72: {  	v8 =	vshll.u32 v7, $0x1  }
0x73: {  	v7 =	vand.u32 $0x7, v7;
	v8 =	vand.u32 $0xFFFFFFF0, v8  }
0x74: {  	v7 =	vor.u32 v7, v8  }
0x75: {  	v8 =	vperm.xlane v7, v4;
	_ =	sdelay $0x1  }
0x76: {  	v7 =	vperm.xlane v7, v6;
	v8 =	vadd.s32 v5, v8;
	_ =	sdelay $0x1  }
0x77: {  	v7 =	vadd.s32 v5, v7;
	_ =	sdelay $0x2  }
0x78: {  	[tilespmem:s11], [sflag:$0x1] =	stream.indirect_vreg.gather [hbm4b:s2+s3], $0x80, v8, vm0, $0xb8;
	[tilespmem:$0x10100] =	vst v63  }
0x79: {  	_ = 	snop  }
0x7a: {  	[tilespmem:s12], [sflag:$0x1] =	stream.indirect_vreg.gather [hbm4b:s2+s3], $0x80, v7, vm0, $0xb8;
	[tilespmem:$0x10100] =	vst v63  }
0x7b: {  	v7 =	vld [tilespmem:$0x80];
	_ =	sdelay $0x4  }
0x7c: {  	v8 =	vshll.u32 v7, $0x1  }
0x7d: {  	v7 =	vand.u32 $0x7, v7;
	v8 =	vand.u32 $0xFFFFFFF0, v8  }
0x7e: {  	v7 =	vor.u32 v7, v8  }
0x7f: {  	v8 =	vperm.xlane v7, v4;
	_ =	sdelay $0x1  }
0x80: {  	v7 =	vperm.xlane v7, v6;
	v8 =	vadd.s32 v5, v8;
	_ =	sdelay $0x1  }
0x81: {  	v7 =	vadd.s32 v5, v7;
	_ =	sdelay $0x2  }
0x82: {  	[tilespmem:s13], [sflag:$0x2] =	stream.indirect_vreg.gather [hbm4b:s2+s3], $0x80, v8, vm0, $0xb8;
	[tilespmem:$0x10100] =	vst v63  }
0x83: {  	_ = 	snop  }
0x84: {  	[tilespmem:s14], [sflag:$0x2] =	stream.indirect_vreg.gather [hbm4b:s2+s3], $0x80, v7, vm0, $0xb8;
	[tilespmem:$0x10100] =	vst v63  }
0x85: {  	v7 =	vld [tilespmem:$0x90];
	_ =	sdelay $0x4  }
0x86: {  	v8 =	vshll.u32 v7, $0x1  }
0x87: {  	v7 =	vand.u32 $0x7, v7;
	v8 =	vand.u32 $0xFFFFFFF0, v8  }
0x88: {  	v7 =	vor.u32 v7, v8  }
0x89: {  	v8 =	vperm.xlane v7, v4;
	_ =	sdelay $0x1  }
0x8a: {  	v7 =	vperm.xlane v7, v6;
	v8 =	vadd.s32 v5, v8;
	_ =	sdelay $0x1  }
0x8b: {  	v7 =	vadd.s32 v5, v7;
	_ =	sdelay $0x2  }
0x8c: {  	[tilespmem:s15], [sflag:$0x2] =	stream.indirect_vreg.gather [hbm4b:s2+s3], $0x80, v8, vm0, $0xb8;
	[tilespmem:$0x10100] =	vst v63  }
0x8d: {  	_ = 	snop  }
0x8e: {  	[tilespmem:s16], [sflag:$0x2] =	stream.indirect_vreg.gather [hbm4b:s2+s3], $0x80, v7, vm0, $0xb8;
	[tilespmem:$0x10100] =	vst v63  }
0x8f: {  	v7 =	vld [tilespmem:$0xA0];
	_ =	sdelay $0x4  }
0x90: {  	v8 =	vshll.u32 v7, $0x1  }
0x91: {  	v7 =	vand.u32 $0x7, v7;
	v8 =	vand.u32 $0xFFFFFFF0, v8  }
0x92: {  	v7 =	vor.u32 v7, v8  }
0x93: {  	v8 =	vperm.xlane v7, v4;
	_ =	sdelay $0x1  }
0x94: {  	v7 =	vperm.xlane v7, v6;
	v8 =	vadd.s32 v5, v8;
	_ =	sdelay $0x1  }
0x95: {  	v7 =	vadd.s32 v5, v7;
	_ =	sdelay $0x2  }
0x96: {  	[tilespmem:s17], [sflag:$0x2] =	stream.indirect_vreg.gather [hbm4b:s2+s3], $0x80, v8, vm0, $0xb8;
	[tilespmem:$0x10100] =	vst v63  }
0x97: {  	_ = 	snop  }
0x98: {  	[tilespmem:s18], [sflag:$0x2] =	stream.indirect_vreg.gather [hbm4b:s2+s3], $0x80, v7, vm0, $0xb8;
	[tilespmem:$0x10100] =	vst v63  }
0x99: {  	v7 =	vld [tilespmem:$0xB0];
	_ =	sdelay $0x4  }
0x9a: {  	v8 =	vshll.u32 v7, $0x1  }
0x9b: {  	v7 =	vand.u32 $0x7, v7;
	v8 =	vand.u32 $0xFFFFFFF0, v8  }
0x9c: {  	v7 =	vor.u32 v7, v8  }
0x9d: {  	v8 =	vperm.xlane v7, v4;
	_ =	sdelay $0x1  }
0x9e: {  	v7 =	vperm.xlane v7, v6;
	v8 =	vadd.s32 v5, v8;
	_ =	sdelay $0x1  }
0x9f: {  	v7 =	vadd.s32 v5, v7;
	_ =	sdelay $0x2  }
0xa0: {  	[tilespmem:s19], [sflag:$0x2] =	stream.indirect_vreg.gather [hbm4b:s2+s3], $0x80, v8, vm0, $0xb8;
	[tilespmem:$0x10100] =	vst v63  }
0xa1: {  	_ = 	snop  }
0xa2: {  	[tilespmem:s20], [sflag:$0x2] =	stream.indirect_vreg.gather [hbm4b:s2+s3], $0x80, v7, vm0, $0xb8;
	[tilespmem:$0x10100] =	vst v63  }
0xa3: {  	v7 =	vld [tilespmem:$0xC0];
	_ =	sdelay $0x4  }
0xa4: {  	v8 =	vshll.u32 v7, $0x1  }
0xa5: {  	v7 =	vand.u32 $0x7, v7;
	v8 =	vand.u32 $0xFFFFFFF0, v8  }
0xa6: {  	v7 =	vor.u32 v7, v8  }
0xa7: {  	v8 =	vperm.xlane v7, v4;
	_ =	sdelay $0x1  }
0xa8: {  	v7 =	vperm.xlane v7, v6;
	v8 =	vadd.s32 v5, v8;
	_ =	sdelay $0x1  }
0xa9: {  	v7 =	vadd.s32 v5, v7;
	_ =	sdelay $0x2  }
0xaa: {  	[tilespmem:s21], [sflag:$0x2] =	stream.indirect_vreg.gather [hbm4b:s2+s3], $0x80, v8, vm0, $0xb8;
	[tilespmem:$0x10100] =	vst v63  }
0xab: {  	_ = 	snop  }
0xac: {  	[tilespmem:s22], [sflag:$0x2] =	stream.indirect_vreg.gather [hbm4b:s2+s3], $0x80, v7, vm0, $0xb8;
	[tilespmem:$0x10100] =	vst v63  }
0xad: {  	v7 =	vld [tilespmem:$0xD0];
	_ =	sdelay $0x4  }
0xae: {  	v8 =	vshll.u32 v7, $0x1  }
0xaf: {  	v7 =	vand.u32 $0x7, v7;
	v8 =	vand.u32 $0xFFFFFFF0, v8  }
0xb0: {  	v7 =	vor.u32 v7, v8  }
0xb1: {  	v8 =	vperm.xlane v7, v4;
	_ =	sdelay $0x1  }
0xb2: {  	v7 =	vperm.xlane v7, v6;
	v8 =	vadd.s32 v5, v8;
	_ =	sdelay $0x1  }
0xb3: {  	v7 =	vadd.s32 v5, v7;
	_ =	sdelay $0x2  }
0xb4: {  	[tilespmem:s23], [sflag:$0x2] =	stream.indirect_vreg.gather [hbm4b:s2+s3], $0x80, v8, vm0, $0xb8;
	[tilespmem:$0x10100] =	vst v63  }
0xb5: {  	_ = 	snop  }
0xb6: {  	[tilespmem:s24], [sflag:$0x2] =	stream.indirect_vreg.gather [hbm4b:s2+s3], $0x80, v7, vm0, $0xb8;
	[tilespmem:$0x10100] =	vst v63  }
0xb7: {  	v7 =	vld [tilespmem:$0xE0];
	_ =	sdelay $0x4  }
0xb8: {  	v8 =	vshll.u32 v7, $0x1  }
0xb9: {  	v7 =	vand.u32 $0x7, v7;
	v8 =	vand.u32 $0xFFFFFFF0, v8  }
0xba: {  	v7 =	vor.u32 v7, v8  }
0xbb: {  	v8 =	vperm.xlane v7, v4;
	_ =	sdelay $0x1  }
0xbc: {  	v7 =	vperm.xlane v7, v6;
	v8 =	vadd.s32 v5, v8;
	_ =	sdelay $0x1  }
0xbd: {  	v7 =	vadd.s32 v5, v7;
	_ =	sdelay $0x2  }
0xbe: {  	[tilespmem:s25], [sflag:$0x2] =	stream.indirect_vreg.gather [hbm4b:s2+s3], $0x80, v8, vm0, $0xb8;
	[tilespmem:$0x10100] =	vst v63  }
0xbf: {  	_ = 	snop  }
0xc0: {  	[tilespmem:s26], [sflag:$0x2] =	stream.indirect_vreg.gather [hbm4b:s2+s3], $0x80, v7, vm0, $0xb8;
	[tilespmem:$0x10100] =	vst v63  }
0xc1: {  	v7 =	vld [tilespmem:$0xF0];
	_ =	sdelay $0x4  }
0xc2: {  	v8 =	vshll.u32 v7, $0x1  }
0xc3: {  	v7 =	vand.u32 $0x7, v7;
	v8 =	vand.u32 $0xFFFFFFF0, v8  }
0xc4: {  	v7 =	vor.u32 v7, v8  }
0xc5: {  	v8 =	vperm.xlane v7, v4;
	_ =	sdelay $0x1  }
0xc6: {  	v7 =	vperm.xlane v7, v6;
	v8 =	vadd.s32 v5, v8;
	_ =	sdelay $0x1  }
0xc7: {  	v7 =	vadd.s32 v5, v7;
	_ =	sdelay $0x2  }
0xc8: {  	[tilespmem:s28], [sflag:$0x2] =	stream.indirect_vreg.gather [hbm4b:s2+s3], $0x80, v8, vm0, $0xb8;
	[tilespmem:$0x10100] =	vst v63  }
0xc9: {  	_ = 	snop  }
0xca: {  	[tilespmem:s29], [sflag:$0x2] =	stream.indirect_vreg.gather [hbm4b:s2+s3], $0x80, v7, vm0, $0xb8;
	[tilespmem:$0x10100] =	vst v63  }
0xcb: {  	_ =	swait.ge [sflag:s30], $0x8000  }
0xcc: {  	[sflag:s30] =	ssyncset.done $0x0  }
0xcd: {  	[sflag:s30] =	ssyncadd.s32 $0xFFFF8000  }
0xce: {  	[hbm4b:s4+s3] =	stream.linear.scatter [tilespmem:s6], [sflag:$0x3], $0x8000, $0x38;
	[tilespmem:$0x10100] =	vst v63  }
0xcf: {  	_ =	swait.ge [sflag:s31], $0x8000  }
0xd0: {  	[sflag:s31] =	ssyncset.done $0x0  }
0xd1: {  	s7 =	rddreg [dreg:$0x3];
	[sflag:s31] =	ssyncadd.s32 $0xFFFF8000  }
0xd2: {  	[hbm4b:s7+s3] =	stream.linear.scatter [tilespmem:s13], [sflag:$0x3], $0x8000, $0x38;
	[tilespmem:$0x10100] =	vst v63  }
0xd3: {  	p0 =	sne.s32 s5, $0x1;
	_ =	swait.ge [sflag:s1], $0x8000  }
.Ltmp1:
0xd4: {  	[sflag:s1] =	ssyncset.done $0x0;
	(pc) =	sbr.rel @p0 .LBB2_2-.Ltmp1, $4  }
0xd5: {  	[sflag:s1] =	ssyncadd.s32 $0xFFFF8000  }
0xd6: {  	_ =	swait.ge [sflag:s1], $0x8000  }
0xd7: {  	[sflag:s1] =	ssyncset.done $0x0  }
0xd8: {  	s5 =	sadd.s32 $0xFFFFFFFF, s5;
	[sflag:s1] =	ssyncadd.s32 $0xFFFF8000  }
.LBB2_3:
0xd9: {  	_ =	sfence.sel $0x180000  }
0xda: {  	[bflag:$0x0] =	sbarrier.arrive $0xFFFF  }
0xdb: {  	_ =	strace $0x90000047  }
0xdc: {  	s0 =	stileid.u32;
	[bflag:$0x2] =	sbarrier.arrive $0xFFFF  }
0xdd: {  	p0 =	sne.s32 s0, $0x0;
	s0 =	rddreg [dreg:$0x2]  }
0xde: {  	s0 =	sadd.s32 @!p0 $0x100000, s0  }
0xdf: {  	[sflag:s0] =	ssyncadd.tile.s32 @!p0 $0x1;
	_ =	shalt  }
.Lfunc_end2:
_tile_overlayer_lowered:
.L_overlay_start_2:
0xe0: {  	(tag) =	ssettag $0x2  }
0xe1: {  	s0 =	rddreg [dreg:$0x0];
	s2 =	stileid.u32  }
0xe2: {  	s1 =	rddreg [dreg:$0x1];
	p0 =	sne.s32 s2, $0x0  }
0xe3: {  	s3 =	rddreg [dreg:$0x2];
	[bflag:$0x3] =	sbarrier.arrive $0xFFFF;
	s2 =	simm.s32 @!p0 $0x1C04  }
0xe4: {  	[timem:s3], [sflag:s2] =	dma.local @!p0 [hbm:s0], s1  }
0xe5: {  	s0 =	simm.s32 @!p0 $0x4  }
0xe6: {  	_ =	swait.ge @!p0 [sflag:s0], s1  }
0xe7: {  	s1 =	ssub.s32 @!p0 $0x0, s1;
	[sflag:s0] =	ssyncset.done @!p0 $0x0  }
0xe8: {  	[sflag:s0] =	ssyncadd.s32 @!p0 s1  }
0xe9: {  	[bflag:$0x3] =	sbarrier.arrive $0xFFFF  }
0xea: {  	_ =	shalt  }

</sc_bundles>
